<compile_context>
chip_gen: v7x
topology: tpu7x:2x2x1
jax: 0.10.2.dev20260603
libtpu: 0.0.44.dev20260713+nightly
codegen_flags: <defaults>
</compile_context>

<pallas_src>
import functools

import jax
import jax.numpy as jnp
from jax import lax
from jax.experimental import pallas as pl
from jax.experimental.pallas import tpu as pltpu
from jax.experimental.pallas import tpu_sc as plsc

_EMBED = 64
_HIDDEN = 128
_NC, _NS = 2, 16
_NW = _NC * _NS
_C = 8192
_Q = _C // 4


def _fold_body(x_ref, i_ref, o_ref):
    xb = x_ref[...].astype(jnp.bfloat16)
    t = lax.dot_general(xb, i_ref[...], (((0,), (0,)), ((), ())),
                        preferred_element_type=jnp.float32)
    ti = lax.bitcast_convert_type(t, jnp.int32)
    a = ti[0 * _Q:1 * _Q]
    b = ti[1 * _Q:2 * _Q]
    c = ti[2 * _Q:3 * _Q]
    d = ti[3 * _Q:4 * _Q]
    hi_mask = jnp.int32(-65536)
    lo_ab = lax.shift_right_logical(a, 16) | (b & hi_mask)
    lo_cd = lax.shift_right_logical(c, 16) | (d & hi_mask)
    o = jnp.concatenate([lo_ab, lo_cd], axis=1)
    o_ref[...] = lax.bitcast_convert_type(o, jnp.float32)


def _tc_fold_pack(tbl_t):
    n = tbl_t.shape[1]
    nblk = pl.cdiv(n, _C)
    ident = jnp.eye(_EMBED, dtype=jnp.bfloat16)
    return pl.pallas_call(
        _fold_body,
        grid=(nblk,),
        in_specs=[
            pl.BlockSpec((_EMBED, _C), lambda k: (0, k)),
            pl.BlockSpec((_EMBED, _EMBED), lambda k: (0, 0)),
        ],
        out_specs=pl.BlockSpec((_Q, 2 * _EMBED), lambda k: (k, 0)),
        out_shape=jax.ShapeDtypeStruct((nblk * _Q, 2 * _EMBED), jnp.float32),
    )(tbl_t, ident)


def _sc_gather1(tbl2, idx):
    b = idx.shape[0]
    bw = b // _NW
    mesh = plsc.VectorSubcoreMesh(core_axis_name="c", subcore_axis_name="s")

    @functools.partial(
        pl.kernel,
        out_type=jax.ShapeDtypeStruct((b, 2 * _EMBED), jnp.float32),
        mesh=mesh,
        scratch_types=[
            pltpu.VMEM((bw,), jnp.int32),
            pltpu.VMEM((bw, 2 * _EMBED), jnp.float32),
            pltpu.SemaphoreType.DMA,
        ],
        compiler_params=pltpu.CompilerParams(use_tc_tiling_on_sc=True),
    )
    def k(t_hbm, i_hbm, o_hbm, i_v, r_v, sem):
        wid = lax.axis_index("s") * _NC + lax.axis_index("c")
        base = wid * bw
        pltpu.sync_copy(i_hbm.at[pl.ds(base, bw)], i_v)
        pltpu.async_copy(t_hbm.at[i_v], r_v, sem).wait()
        pltpu.sync_copy(r_v, o_hbm.at[pl.ds(base, bw)])

    return k(tbl2, idx)


def _unpack_select(rows_ref, lo_ref, right_ref, lane_hi):
    ri = lax.bitcast_convert_type(rows_ref[...], jnp.int32)
    x_lo = lax.bitcast_convert_type(lax.shift_left(ri, 16), jnp.float32)
    x_hi = lax.bitcast_convert_type(ri & jnp.int32(-65536), jnp.float32)
    x = jnp.where(lo_ref[...] != 0, x_lo, x_hi)
    return jnp.where(lane_hi == (right_ref[...] != 0), x, 0.0)


def _mlp_body(u_ref, m_ref, ulo_ref, uhz_ref, mlo_ref, mhz_ref,
              w1u_ref, w1m_ref, b1_ref, w2_ref, b2_ref, o_ref):
    blk = u_ref.shape[0]
    lane = lax.broadcasted_iota(jnp.int32, (blk, 2 * _EMBED), 1)
    lane_hi = lane >= _EMBED
    u_x = _unpack_select(u_ref, ulo_ref, uhz_ref, lane_hi)
    m_x = _unpack_select(m_ref, mlo_ref, mhz_ref, lane_hi)
    h = (
        jnp.dot(u_x, w1u_ref[...], preferred_element_type=jnp.float32)
        + jnp.dot(m_x, w1m_ref[...], preferred_element_type=jnp.float32)
        + b1_ref[...]
    )
    h = jnp.maximum(h, 0.0)
    o_ref[...] = (
        jnp.dot(h, w2_ref[...], preferred_element_type=jnp.float32)
        + b2_ref[0, 0]
    )


def _tc_mlp(u_rows, m_rows, sel_u, sel_m, W1, b1, W2, b2):
    b = u_rows.shape[0]
    blk = 4096
    w1u_t = W1[:, :_EMBED].T
    w1m_t = W1[:, _EMBED:].T
    w1u2 = jnp.concatenate([w1u_t, w1u_t], axis=0)
    w1m2 = jnp.concatenate([w1m_t, w1m_t], axis=0)
    ulo, uhz = sel_u
    mlo, mhz = sel_m
    out = pl.pallas_call(
        _mlp_body,
        grid=(b // blk,),
        in_specs=[
            pl.BlockSpec((blk, 2 * _EMBED), lambda i: (i, 0)),
            pl.BlockSpec((blk, 2 * _EMBED), lambda i: (i, 0)),
            pl.BlockSpec((blk, 1), lambda i: (i, 0)),
            pl.BlockSpec((blk, 1), lambda i: (i, 0)),
            pl.BlockSpec((blk, 1), lambda i: (i, 0)),
            pl.BlockSpec((blk, 1), lambda i: (i, 0)),
            pl.BlockSpec((2 * _EMBED, _HIDDEN), lambda i: (0, 0)),
            pl.BlockSpec((2 * _EMBED, _HIDDEN), lambda i: (0, 0)),
            pl.BlockSpec((1, _HIDDEN), lambda i: (0, 0)),
            pl.BlockSpec((_HIDDEN, 1), lambda i: (0, 0)),
            pl.BlockSpec((1, 1), lambda i: (0, 0)),
        ],
        out_specs=pl.BlockSpec((blk, 1), lambda i: (i, 0)),
        out_shape=jax.ShapeDtypeStruct((b, 1), jnp.float32),
    )(u_rows, m_rows, ulo, uhz, mlo, mhz, w1u2, w1m2,
      b1.reshape(1, _HIDDEN), W2.reshape(_HIDDEN, 1), b2.reshape(1, 1))
    return out.reshape(b)


def _pack_index(i):
    blk = i // _C
    r = i % _C
    gi = blk * _Q + (r % _Q)
    q = r // _Q
    is_lo = 1 - (q & 1)
    is_right = q >> 1
    return gi, is_lo, is_right


def kernel(user_input, movie_input, user_table, movie_table, W1, b1, W2, b2):
    b = user_input.shape[0]
    ui = user_input.astype(jnp.int32)
    mi = movie_input.astype(jnp.int32)
    gu, ulo, uhz = _pack_index(ui)
    gm, mlo, mhz = _pack_index(mi)
    ut2 = _tc_fold_pack(user_table.T)
    u_rows = _sc_gather1(ut2, gu)
    mt2 = _tc_fold_pack(movie_table.T)
    m_rows = _sc_gather1(mt2, gm)
    r = lambda x: x.reshape(b, 1)
    return _tc_mlp(u_rows, m_rows, (r(ulo), r(uhz)), (r(mlo), r(mhz)),
                   W1, b1, W2, b2)

# --- scband reference (transcript-rebuilt; emitter-appended) ---
"""Pipeline reference for scband-recommender-net-13924283973656 (READ-ONLY COPY).

The authoritative reference and input builder live on the scoring server;
editing this copy changes nothing except your own understanding.
"""

import jax, jax.numpy as jnp
import numpy as np

NUM_USERS = 1000000
NUM_MOVIES = 1000000
EMBED = 64
BATCH = 16384

def setup_inputs(seed: int = 0) -> dict:
    key = jax.random.key(seed)
    k1, k2, k3, k4, k5, k6, k7, k8 = jax.random.split(key, 8)
    user_input = jax.random.randint(k1, (BATCH,), 0, NUM_USERS, dtype=jnp.int64 if jax.config.jax_enable_x64 else jnp.int32)
    movie_input = jax.random.randint(k2, (BATCH,), 0, NUM_MOVIES, dtype=jnp.int64 if jax.config.jax_enable_x64 else jnp.int32)
    user_table = jax.random.normal(k3, (NUM_USERS, EMBED), dtype=jnp.float32)
    movie_table = jax.random.normal(k4, (NUM_MOVIES, EMBED), dtype=jnp.float32)
    # fc: Linear(2*EMBED -> 128), ReLU, Linear(128 -> 1)
    lim1 = 1.0 / np.sqrt(2 * EMBED)
    W1 = jax.random.uniform(k5, (128, 2 * EMBED), minval=-lim1, maxval=lim1, dtype=jnp.float32)
    b1 = jax.random.uniform(k6, (128,), minval=-lim1, maxval=lim1, dtype=jnp.float32)
    lim2 = 1.0 / np.sqrt(128)
    W2 = jax.random.uniform(k7, (1, 128), minval=-lim2, maxval=lim2, dtype=jnp.float32)
    b2 = jax.random.uniform(k8, (1,), minval=-lim2, maxval=lim2, dtype=jnp.float32)
    return {"user_input": user_input, "movie_input": movie_input,
            "user_table": user_table, "movie_table": movie_table,
            "W1": W1, "b1": b1, "W2": W2, "b2": b2}

def reference(user_input, movie_input, user_table, movie_table, W1, b1, W2, b2):
    user_embedded = jnp.take(user_table, user_input, axis=0)
    movie_embedded = jnp.take(movie_table, movie_input, axis=0)
    x = jnp.concatenate([user_embedded, movie_embedded], axis=-1)
    h = jnp.maximum(x @ W1.T + b1, 0.0)
    out = h @ W2.T + b2
    return jnp.squeeze(out)

if __name__ == "__main__":
    import jax
    _d = setup_inputs()
    print(jax.jit(kernel)(*tuple(_d.values())))

</pallas_src>

<mosaic_0001>
#map = affine_map<(d0, d1) -> (0, 0)>
#map1 = affine_map<(d0, d1) -> (0)>
module attributes {stable_mosaic.version = 14 : i64} {
  func.func @k(%arg0: i32, %arg1: i32, %arg2: memref<251904x128xf32, #tpu.memory_space<hbm>>, %arg3: memref<16384xi32, #tpu.memory_space<hbm>>, %arg4: memref<16384x128xf32, #tpu.memory_space<hbm>>, %arg5: memref<512xi32, #tpu.memory_space<vmem>>, %arg6: memref<512x128xf32, #tpu.memory_space<vmem>>, %arg7: memref<!tpu.dma_semaphore, #tpu.memory_space<semaphore_mem>>) attributes {dimension_semantics = [#tpu.dimension_semantics<core_parallel>, #tpu.dimension_semantics<subcore_parallel>], iteration_bounds = array<i64: 2, 16>, scalar_prefetch = 0 : i64, scratch_operands = 3 : i64, tpu.core_type = #tpu.core_type<sc_vector_subcore>, window_params = [{transform_indices = #map}, {transform_indices = #map1}, {transform_indices = #map}]} {
    %mul3A = arith.constant 2 : i32
    %mul3A_0 = arith.muli %arg1, %mul3A : i32
    %add3A = arith.addi %mul3A_0, %arg0 : i32
    %mul3A_1 = arith.constant 512 : i32
    %mul3A_2 = arith.muli %add3A, %mul3A_1 : i32
    "tpu.region"() ({
      %run_scoped3A = tpu.sem_alloc : memref<!tpu.dma_semaphore, #tpu.memory_space<semaphore_mem>>
      %dma_start3A_7 = tpu.memref_slice %arg3[%mul3A_2] : memref<16384xi32, #tpu.memory_space<hbm>> -> memref<512xi32, #tpu.memory_space<hbm>>
      %dma_start3A_8 = tpu.memref_slice %arg3[%mul3A_2] : memref<16384xi32, #tpu.memory_space<hbm>> -> memref<512xi32, #tpu.memory_space<hbm>>
      tpu.enqueue_dma source(%dma_start3A_8 : memref<512xi32, #tpu.memory_space<hbm>>) target(%arg5 : memref<512xi32, #tpu.memory_space<vmem>>) target_semaphore(%run_scoped3A : memref<!tpu.dma_semaphore, #tpu.memory_space<semaphore_mem>>)
      %dma_wait3A_9 = tpu.memref_slice %arg3[%mul3A_2] : memref<16384xi32, #tpu.memory_space<hbm>> -> memref<512xi32, #tpu.memory_space<hbm>>
      %dma_wait3A_10 = tpu.memref_slice %arg3[%mul3A_2] : memref<16384xi32, #tpu.memory_space<hbm>> -> memref<512xi32, #tpu.memory_space<hbm>>
      tpu.wait_dma2 semaphore(%run_scoped3A : memref<!tpu.dma_semaphore, #tpu.memory_space<semaphore_mem>>) src(%dma_wait3A_10 : memref<512xi32, #tpu.memory_space<hbm>>) dst(%arg5 : memref<512xi32, #tpu.memory_space<vmem>>)
      tpu.yield
    }) : () -> ()
    %dma_start3A = arith.constant 0 : i32
    %dma_start3A_3 = arith.constant 0 : i32
    %dma_start3A_4 = tpu.memref_slice %arg2[%dma_start3A, %dma_start3A_3] : memref<251904x128xf32, #tpu.memory_space<hbm>> -> memref<251904x128xf32, #tpu.memory_space<hbm>>
    tpu.enqueue_indirect_dma source(%dma_start3A_4 : memref<251904x128xf32, #tpu.memory_space<hbm>>) target(%arg6 : memref<512x128xf32, #tpu.memory_space<vmem>>) offsets(%arg5 : memref<512xi32, #tpu.memory_space<vmem>>) semaphore(%arg7 : memref<!tpu.dma_semaphore, #tpu.memory_space<semaphore_mem>>)
    %dma_wait3A = arith.constant 0 : i32
    %dma_wait3A_5 = arith.constant 0 : i32
    %dma_wait3A_6 = tpu.memref_slice %arg2[%dma_wait3A, %dma_wait3A_5] : memref<251904x128xf32, #tpu.memory_space<hbm>> -> memref<251904x128xf32, #tpu.memory_space<hbm>>
    tpu.wait_indirect_dma semaphore(%arg7 : memref<!tpu.dma_semaphore, #tpu.memory_space<semaphore_mem>>) src(%dma_wait3A_6 : memref<251904x128xf32, #tpu.memory_space<hbm>>) dst(%arg6 : memref<512x128xf32, #tpu.memory_space<vmem>>)
    "tpu.region"() ({
      %run_scoped3A = tpu.sem_alloc : memref<!tpu.dma_semaphore, #tpu.memory_space<semaphore_mem>>
      %dma_start3A_7 = arith.constant 0 : i32
      %dma_start3A_8 = tpu.memref_slice %arg4[%mul3A_2, %dma_start3A_7] : memref<16384x128xf32, #tpu.memory_space<hbm>> -> memref<512x128xf32, #tpu.memory_space<hbm>>
      %dma_start3A_9 = arith.constant 0 : i32
      %dma_start3A_10 = tpu.memref_slice %arg4[%mul3A_2, %dma_start3A_9] : memref<16384x128xf32, #tpu.memory_space<hbm>> -> memref<512x128xf32, #tpu.memory_space<hbm>>
      tpu.enqueue_dma source(%arg6 : memref<512x128xf32, #tpu.memory_space<vmem>>) target(%dma_start3A_10 : memref<512x128xf32, #tpu.memory_space<hbm>>) target_semaphore(%run_scoped3A : memref<!tpu.dma_semaphore, #tpu.memory_space<semaphore_mem>>)
      %dma_wait3A_11 = arith.constant 0 : i32
      %dma_wait3A_12 = tpu.memref_slice %arg4[%mul3A_2, %dma_wait3A_11] : memref<16384x128xf32, #tpu.memory_space<hbm>> -> memref<512x128xf32, #tpu.memory_space<hbm>>
      %dma_wait3A_13 = arith.constant 0 : i32
      %dma_wait3A_14 = tpu.memref_slice %arg4[%mul3A_2, %dma_wait3A_13] : memref<16384x128xf32, #tpu.memory_space<hbm>> -> memref<512x128xf32, #tpu.memory_space<hbm>>
      tpu.wait_dma2 semaphore(%run_scoped3A : memref<!tpu.dma_semaphore, #tpu.memory_space<semaphore_mem>>) src(%arg6 : memref<512x128xf32, #tpu.memory_space<vmem>>) dst(%dma_wait3A_14 : memref<512x128xf32, #tpu.memory_space<hbm>>)
      tpu.yield
    }) : () -> ()
    return
  }
}

#map = affine_map<(d0, d1) -> (0, 0)>
#map1 = affine_map<(d0, d1) -> (0)>
module attributes {stable_mosaic.version = 14 : i64} {
  func.func @k(%arg0: i32, %arg1: i32, %arg2: memref<251904x128xf32, #tpu.memory_space<hbm>>, %arg3: memref<16384xi32, #tpu.memory_space<hbm>>, %arg4: memref<16384x128xf32, #tpu.memory_space<hbm>>, %arg5: memref<512xi32, #tpu.memory_space<vmem>>, %arg6: memref<512x128xf32, #tpu.memory_space<vmem>>, %arg7: memref<!tpu.dma_semaphore, #tpu.memory_space<semaphore_mem>>) attributes {dimension_semantics = [#tpu.dimension_semantics<core_parallel>, #tpu.dimension_semantics<subcore_parallel>], iteration_bounds = array<i64: 2, 16>, scalar_prefetch = 0 : i64, scratch_operands = 3 : i64, tpu.core_type = #tpu.core_type<sc_vector_subcore>, window_params = [{transform_indices = #map}, {transform_indices = #map1}, {transform_indices = #map}]} {
    %mul3A = arith.constant 2 : i32
    %mul3A_0 = arith.muli %arg1, %mul3A : i32
    %add3A = arith.addi %mul3A_0, %arg0 : i32
    %mul3A_1 = arith.constant 512 : i32
    %mul3A_2 = arith.muli %add3A, %mul3A_1 : i32
    "tpu.region"() ({
      %run_scoped3A = tpu.sem_alloc : memref<!tpu.dma_semaphore, #tpu.memory_space<semaphore_mem>>
      %dma_start3A_7 = tpu.memref_slice %arg3[%mul3A_2] : memref<16384xi32, #tpu.memory_space<hbm>> -> memref<512xi32, #tpu.memory_space<hbm>>
      %dma_start3A_8 = tpu.memref_slice %arg3[%mul3A_2] : memref<16384xi32, #tpu.memory_space<hbm>> -> memref<512xi32, #tpu.memory_space<hbm>>
      tpu.enqueue_dma source(%dma_start3A_8 : memref<512xi32, #tpu.memory_space<hbm>>) target(%arg5 : memref<512xi32, #tpu.memory_space<vmem>>) target_semaphore(%run_scoped3A : memref<!tpu.dma_semaphore, #tpu.memory_space<semaphore_mem>>)
      %dma_wait3A_9 = tpu.memref_slice %arg3[%mul3A_2] : memref<16384xi32, #tpu.memory_space<hbm>> -> memref<512xi32, #tpu.memory_space<hbm>>
      %dma_wait3A_10 = tpu.memref_slice %arg3[%mul3A_2] : memref<16384xi32, #tpu.memory_space<hbm>> -> memref<512xi32, #tpu.memory_space<hbm>>
      tpu.wait_dma2 semaphore(%run_scoped3A : memref<!tpu.dma_semaphore, #tpu.memory_space<semaphore_mem>>) src(%dma_wait3A_10 : memref<512xi32, #tpu.memory_space<hbm>>) dst(%arg5 : memref<512xi32, #tpu.memory_space<vmem>>)
      tpu.yield
    }) : () -> ()
    %dma_start3A = arith.constant 0 : i32
    %dma_start3A_3 = arith.constant 0 : i32
    %dma_start3A_4 = tpu.memref_slice %arg2[%dma_start3A, %dma_start3A_3] : memref<251904x128xf32, #tpu.memory_space<hbm>> -> memref<251904x128xf32, #tpu.memory_space<hbm>>
    tpu.enqueue_indirect_dma source(%dma_start3A_4 : memref<251904x128xf32, #tpu.memory_space<hbm>>) target(%arg6 : memref<512x128xf32, #tpu.memory_space<vmem>>) offsets(%arg5 : memref<512xi32, #tpu.memory_space<vmem>>) semaphore(%arg7 : memref<!tpu.dma_semaphore, #tpu.memory_space<semaphore_mem>>)
    %dma_wait3A = arith.constant 0 : i32
    %dma_wait3A_5 = arith.constant 0 : i32
    %dma_wait3A_6 = tpu.memref_slice %arg2[%dma_wait3A, %dma_wait3A_5] : memref<251904x128xf32, #tpu.memory_space<hbm>> -> memref<251904x128xf32, #tpu.memory_space<hbm>>
    tpu.wait_indirect_dma semaphore(%arg7 : memref<!tpu.dma_semaphore, #tpu.memory_space<semaphore_mem>>) src(%dma_wait3A_6 : memref<251904x128xf32, #tpu.memory_space<hbm>>) dst(%arg6 : memref<512x128xf32, #tpu.memory_space<vmem>>)
    "tpu.region"() ({
      %run_scoped3A = tpu.sem_alloc : memref<!tpu.dma_semaphore, #tpu.memory_space<semaphore_mem>>
      %dma_start3A_7 = arith.constant 0 : i32
      %dma_start3A_8 = tpu.memref_slice %arg4[%mul3A_2, %dma_start3A_7] : memref<16384x128xf32, #tpu.memory_space<hbm>> -> memref<512x128xf32, #tpu.memory_space<hbm>>
      %dma_start3A_9 = arith.constant 0 : i32
      %dma_start3A_10 = tpu.memref_slice %arg4[%mul3A_2, %dma_start3A_9] : memref<16384x128xf32, #tpu.memory_space<hbm>> -> memref<512x128xf32, #tpu.memory_space<hbm>>
      tpu.enqueue_dma source(%arg6 : memref<512x128xf32, #tpu.memory_space<vmem>>) target(%dma_start3A_10 : memref<512x128xf32, #tpu.memory_space<hbm>>) target_semaphore(%run_scoped3A : memref<!tpu.dma_semaphore, #tpu.memory_space<semaphore_mem>>)
      %dma_wait3A_11 = arith.constant 0 : i32
      %dma_wait3A_12 = tpu.memref_slice %arg4[%mul3A_2, %dma_wait3A_11] : memref<16384x128xf32, #tpu.memory_space<hbm>> -> memref<512x128xf32, #tpu.memory_space<hbm>>
      %dma_wait3A_13 = arith.constant 0 : i32
      %dma_wait3A_14 = tpu.memref_slice %arg4[%mul3A_2, %dma_wait3A_13] : memref<16384x128xf32, #tpu.memory_space<hbm>> -> memref<512x128xf32, #tpu.memory_space<hbm>>
      tpu.wait_dma2 semaphore(%run_scoped3A : memref<!tpu.dma_semaphore, #tpu.memory_space<semaphore_mem>>) src(%arg6 : memref<512x128xf32, #tpu.memory_space<vmem>>) dst(%dma_wait3A_14 : memref<512x128xf32, #tpu.memory_space<hbm>>)
      tpu.yield
    }) : () -> ()
    return
  }
}

module attributes {stable_mosaic.version = 14 : i64} {
  func.func @_fold_body(%arg0: i32, %arg1: memref<64x8192xf32, #tpu.memory_space<vmem>>, %arg2: memref<64x64xbf16, #tpu.memory_space<vmem>>, %arg3: memref<2048x128xf32, #tpu.memory_space<vmem>>) attributes {dimension_semantics = [#tpu.dimension_semantics<arbitrary>], iteration_bounds = array<i64: 123>, scalar_prefetch = 0 : i64, scratch_operands = 0 : i64, tpu.core_type = #tpu.core_type<tc>, window_params = [{transform_indices = @transform_0, window_bounds = array<i64: 64, 8192>}, {pipeline_mode = #tpu.pipeline_mode<synchronous>, transform_indices = @transform_1, window_bounds = array<i64: 64, 64>}, {transform_indices = @transform_2, window_bounds = array<i64: 2048, 128>}]} {
    %get3A = arith.constant 0 : index
    %get3A_0 = arith.constant 0 : index
    %get3A_1 = vector.load %arg1[%get3A, %get3A_0] : memref<64x8192xf32, #tpu.memory_space<vmem>>, vector<64x8192xf32>
    %convert_element_type3A = arith.truncf %get3A_1 : vector<64x8192xf32> to vector<64x8192xbf16>
    %get3A_2 = arith.constant 0 : index
    %get3A_3 = arith.constant 0 : index
    %get3A_4 = vector.load %arg2[%get3A_2, %get3A_3] : memref<64x64xbf16, #tpu.memory_space<vmem>>, vector<64x64xbf16>
    %dot_general3A = arith.constant dense<0.000000e+00> : vector<8192x64xf32>
    %dot_general3A_5 = tpu.matmul %convert_element_type3A, %get3A_4, %dot_general3A {dimension_numbers = #tpu.dot_dimension_numbers<[0], [0], [1], [1], [0, 1, 1, 1], [], []>, transpose_lhs_hint = false} : vector<64x8192xbf16>, vector<64x64xbf16>, vector<8192x64xf32> -> vector<8192x64xf32>
    %bitcast_convert_type3A = tpu.bitcast %dot_general3A_5 : vector<8192x64xf32> -> vector<8192x64xi32>
    %slice3A = vector.extract_strided_slice %bitcast_convert_type3A {offsets = [0, 0], sizes = [2048, 64], strides = [1, 1]} : vector<8192x64xi32> to vector<2048x64xi32>
    %slice3A_6 = vector.extract_strided_slice %bitcast_convert_type3A {offsets = [2048, 0], sizes = [2048, 64], strides = [1, 1]} : vector<8192x64xi32> to vector<2048x64xi32>
    %slice3A_7 = vector.extract_strided_slice %bitcast_convert_type3A {offsets = [4096, 0], sizes = [2048, 64], strides = [1, 1]} : vector<8192x64xi32> to vector<2048x64xi32>
    %slice3A_8 = vector.extract_strided_slice %bitcast_convert_type3A {offsets = [6144, 0], sizes = [2048, 64], strides = [1, 1]} : vector<8192x64xi32> to vector<2048x64xi32>
    %shift_right_logical3A = arith.constant 16 : i32
    %shift_right_logical3A_9 = vector.broadcast %shift_right_logical3A : i32 to vector<2048x64xi32>
    %shift_right_logical3A_10 = arith.shrui %slice3A, %shift_right_logical3A_9 : vector<2048x64xi32>
    %and3A = arith.constant -65536 : i32
    %and3A_11 = vector.broadcast %and3A : i32 to vector<2048x64xi32>
    %and3A_12 = arith.andi %slice3A_6, %and3A_11 : vector<2048x64xi32>
    %or3A = arith.ori %shift_right_logical3A_10, %and3A_12 : vector<2048x64xi32>
    %shift_right_logical3A_13 = arith.constant 16 : i32
    %shift_right_logical3A_14 = vector.broadcast %shift_right_logical3A_13 : i32 to vector<2048x64xi32>
    %shift_right_logical3A_15 = arith.shrui %slice3A_7, %shift_right_logical3A_14 : vector<2048x64xi32>
    %and3A_16 = arith.constant -65536 : i32
    %and3A_17 = vector.broadcast %and3A_16 : i32 to vector<2048x64xi32>
    %and3A_18 = arith.andi %slice3A_8, %and3A_17 : vector<2048x64xi32>
    %or3A_19 = arith.ori %shift_right_logical3A_15, %and3A_18 : vector<2048x64xi32>
    %concatenate3A = tpu.concatenate %or3A, %or3A_19 in 1 : vector<2048x64xi32>, vector<2048x64xi32> -> vector<2048x128xi32>
    %bitcast_convert_type3A_20 = tpu.bitcast %concatenate3A : vector<2048x128xi32> -> vector<2048x128xf32>
    %swap3A = arith.constant 0 : index
    %swap3A_21 = arith.constant 0 : index
    %swap3A_22 = vector.load %arg3[%swap3A, %swap3A_21] : memref<2048x128xf32, #tpu.memory_space<vmem>>, vector<2048x128xf32>
    tpu.vector_store %arg3[%swap3A, %swap3A_21], %bitcast_convert_type3A_20 {strides = array<i32>} : memref<2048x128xf32, #tpu.memory_space<vmem>>, vector<2048x128xf32>,
    return
  }
  func.func @transform_0(%arg0: i32) -> (i32, i32) {
    %c0_i32 = arith.constant 0 : i32
    %c0_i32_0 = arith.constant 0 : i32
    return %c0_i32, %arg0 : i32, i32
  }
  func.func @transform_1(%arg0: i32) -> (i32, i32) {
    %c0_i32 = arith.constant 0 : i32
    %c0_i32_0 = arith.constant 0 : i32
    %c0_i32_1 = arith.constant 0 : i32
    return %c0_i32, %c0_i32_0 : i32, i32
  }
  func.func @transform_2(%arg0: i32) -> (i32, i32) {
    %c0_i32 = arith.constant 0 : i32
    %c0_i32_0 = arith.constant 0 : i32
    return %arg0, %c0_i32 : i32, i32
  }
}

module attributes {stable_mosaic.version = 14 : i64} {
  func.func @_mlp_body(%arg0: i32, %arg1: memref<4096x128xf32, #tpu.memory_space<vmem>>, %arg2: memref<4096x128xf32, #tpu.memory_space<vmem>>, %arg3: memref<4096x1xi32, #tpu.memory_space<vmem>>, %arg4: memref<4096x1xi32, #tpu.memory_space<vmem>>, %arg5: memref<4096x1xi32, #tpu.memory_space<vmem>>, %arg6: memref<4096x1xi32, #tpu.memory_space<vmem>>, %arg7: memref<128x128xf32, #tpu.memory_space<vmem>>, %arg8: memref<128x128xf32, #tpu.memory_space<vmem>>, %arg9: memref<1x128xf32, #tpu.memory_space<vmem>>, %arg10: memref<128x1xf32, #tpu.memory_space<vmem>>, %arg11: memref<1x1xf32, #tpu.memory_space<vmem>>, %arg12: memref<4096x1xf32, #tpu.memory_space<vmem>>) attributes {dimension_semantics = [#tpu.dimension_semantics<arbitrary>], iteration_bounds = array<i64: 4>, scalar_prefetch = 0 : i64, scratch_operands = 0 : i64, tpu.core_type = #tpu.core_type<tc>, window_params = [{transform_indices = @transform_0, window_bounds = array<i64: 4096, 128>}, {transform_indices = @transform_1, window_bounds = array<i64: 4096, 128>}, {transform_indices = @transform_2, window_bounds = array<i64: 4096, 1>}, {transform_indices = @transform_3, window_bounds = array<i64: 4096, 1>}, {transform_indices = @transform_4, window_bounds = array<i64: 4096, 1>}, {transform_indices = @transform_5, window_bounds = array<i64: 4096, 1>}, {pipeline_mode = #tpu.pipeline_mode<synchronous>, transform_indices = @transform_6, window_bounds = array<i64: 128, 128>}, {pipeline_mode = #tpu.pipeline_mode<synchronous>, transform_indices = @transform_7, window_bounds = array<i64: 128, 128>}, {pipeline_mode = #tpu.pipeline_mode<synchronous>, transform_indices = @transform_8, window_bounds = array<i64: 1, 128>}, {pipeline_mode = #tpu.pipeline_mode<synchronous>, transform_indices = @transform_9, window_bounds = array<i64: 128, 1>}, {pipeline_mode = #tpu.pipeline_mode<synchronous>, transform_indices = @transform_10, window_bounds = array<i64: 1, 1>}, {transform_indices = @transform_11, window_bounds = array<i64: 4096, 1>}]} {
    %iota3A = tpu.iota {dimensions = array<i32: 1>} : vector<4096x128xi32>
    %ge3A = arith.constant 64 : i32
    %ge3A_0 = vector.broadcast %ge3A : i32 to vector<4096x128xi32>
    %ge3A_1 = arith.cmpi sge, %iota3A, %ge3A_0 : vector<4096x128xi32>
    %get3A = arith.constant 0 : index
    %get3A_2 = arith.constant 0 : index
    %get3A_3 = vector.load %arg1[%get3A, %get3A_2] : memref<4096x128xf32, #tpu.memory_space<vmem>>, vector<4096x128xf32>
    %bitcast_convert_type3A = tpu.bitcast %get3A_3 : vector<4096x128xf32> -> vector<4096x128xi32>
    %shift_left3A = arith.constant 16 : i32
    %shift_left3A_4 = vector.broadcast %shift_left3A : i32 to vector<4096x128xi32>
    %shift_left3A_5 = arith.shli %bitcast_convert_type3A, %shift_left3A_4 : vector<4096x128xi32>
    %bitcast_convert_type3A_6 = tpu.bitcast %shift_left3A_5 : vector<4096x128xi32> -> vector<4096x128xf32>
    %and3A = arith.constant -65536 : i32
    %and3A_7 = vector.broadcast %and3A : i32 to vector<4096x128xi32>
    %and3A_8 = arith.andi %bitcast_convert_type3A, %and3A_7 : vector<4096x128xi32>
    %bitcast_convert_type3A_9 = tpu.bitcast %and3A_8 : vector<4096x128xi32> -> vector<4096x128xf32>
    %get3A_10 = arith.constant 0 : index
    %get3A_11 = arith.constant 0 : index
    %get3A_12 = vector.load %arg3[%get3A_10, %get3A_11] : memref<4096x1xi32, #tpu.memory_space<vmem>>, vector<4096x1xi32>
    %ne3A = arith.constant 0 : i32
    %ne3A_13 = vector.broadcast %ne3A : i32 to vector<4096x1xi32>
    %ne3A_14 = arith.cmpi ne, %get3A_12, %ne3A_13 : vector<4096x1xi32>
    %broadcast_in_dim3A = vector.shape_cast %ne3A_14 : vector<4096x1xi1> to vector<4096x1xi1>
    %broadcast_in_dim3A_15 = vector.broadcast %broadcast_in_dim3A : vector<4096x1xi1> to vector<4096x128xi1>
    %select_n3A = arith.select %broadcast_in_dim3A_15, %bitcast_convert_type3A_6, %bitcast_convert_type3A_9 : vector<4096x128xi1>, vector<4096x128xf32>
    %get3A_16 = arith.constant 0 : index
    %get3A_17 = arith.constant 0 : index
    %get3A_18 = vector.load %arg4[%get3A_16, %get3A_17] : memref<4096x1xi32, #tpu.memory_space<vmem>>, vector<4096x1xi32>
    %ne3A_19 = arith.constant 0 : i32
    %ne3A_20 = vector.broadcast %ne3A_19 : i32 to vector<4096x1xi32>
    %ne3A_21 = arith.cmpi ne, %get3A_18, %ne3A_20 : vector<4096x1xi32>
    %eq3A = vector.broadcast %ne3A_21 : vector<4096x1xi1> to vector<4096x128xi1>
    %eq3A_22 = vector.broadcast %eq3A : vector<4096x128xi1> to vector<4096x128xi1>
    %eq3A_23 = arith.xori %ge3A_1, %eq3A_22 : vector<4096x128xi1>
    %eq3A_24 = arith.constant dense<true> : vector<4096x128xi1>
    %eq3A_25 = arith.xori %eq3A_23, %eq3A_24 : vector<4096x128xi1>
    %jit3A = arith.constant 0.000000e+00 : f32
    %broadcast_in_dim3A_26 = vector.broadcast %jit3A : f32 to vector<4096x128xf32>
    %select_n3A_27 = arith.select %eq3A_25, %select_n3A, %broadcast_in_dim3A_26 : vector<4096x128xi1>, vector<4096x128xf32>
    %get3A_28 = arith.constant 0 : index
    %get3A_29 = arith.constant 0 : index
    %get3A_30 = vector.load %arg2[%get3A_28, %get3A_29] : memref<4096x128xf32, #tpu.memory_space<vmem>>, vector<4096x128xf32>
    %bitcast_convert_type3A_31 = tpu.bitcast %get3A_30 : vector<4096x128xf32> -> vector<4096x128xi32>
    %shift_left3A_32 = arith.constant 16 : i32
    %shift_left3A_33 = vector.broadcast %shift_left3A_32 : i32 to vector<4096x128xi32>
    %shift_left3A_34 = arith.shli %bitcast_convert_type3A_31, %shift_left3A_33 : vector<4096x128xi32>
    %bitcast_convert_type3A_35 = tpu.bitcast %shift_left3A_34 : vector<4096x128xi32> -> vector<4096x128xf32>
    %and3A_36 = arith.constant -65536 : i32
    %and3A_37 = vector.broadcast %and3A_36 : i32 to vector<4096x128xi32>
    %and3A_38 = arith.andi %bitcast_convert_type3A_31, %and3A_37 : vector<4096x128xi32>
    %bitcast_convert_type3A_39 = tpu.bitcast %and3A_38 : vector<4096x128xi32> -> vector<4096x128xf32>
    %get3A_40 = arith.constant 0 : index
    %get3A_41 = arith.constant 0 : index
    %get3A_42 = vector.load %arg5[%get3A_40, %get3A_41] : memref<4096x1xi32, #tpu.memory_space<vmem>>, vector<4096x1xi32>
    %ne3A_43 = arith.constant 0 : i32
    %ne3A_44 = vector.broadcast %ne3A_43 : i32 to vector<4096x1xi32>
    %ne3A_45 = arith.cmpi ne, %get3A_42, %ne3A_44 : vector<4096x1xi32>
    %broadcast_in_dim3A_46 = vector.shape_cast %ne3A_45 : vector<4096x1xi1> to vector<4096x1xi1>
    %broadcast_in_dim3A_47 = vector.broadcast %broadcast_in_dim3A_46 : vector<4096x1xi1> to vector<4096x128xi1>
    %select_n3A_48 = arith.select %broadcast_in_dim3A_47, %bitcast_convert_type3A_35, %bitcast_convert_type3A_39 : vector<4096x128xi1>, vector<4096x128xf32>
    %get3A_49 = arith.constant 0 : index
    %get3A_50 = arith.constant 0 : index
    %get3A_51 = vector.load %arg6[%get3A_49, %get3A_50] : memref<4096x1xi32, #tpu.memory_space<vmem>>, vector<4096x1xi32>
    %ne3A_52 = arith.constant 0 : i32
    %ne3A_53 = vector.broadcast %ne3A_52 : i32 to vector<4096x1xi32>
    %ne3A_54 = arith.cmpi ne, %get3A_51, %ne3A_53 : vector<4096x1xi32>
    %eq3A_55 = vector.broadcast %ne3A_54 : vector<4096x1xi1> to vector<4096x128xi1>
    %eq3A_56 = vector.broadcast %eq3A_55 : vector<4096x128xi1> to vector<4096x128xi1>
    %eq3A_57 = arith.xori %ge3A_1, %eq3A_56 : vector<4096x128xi1>
    %eq3A_58 = arith.constant dense<true> : vector<4096x128xi1>
    %eq3A_59 = arith.xori %eq3A_57, %eq3A_58 : vector<4096x128xi1>
    %jit3A_60 = arith.constant 0.000000e+00 : f32
    %broadcast_in_dim3A_61 = vector.broadcast %jit3A_60 : f32 to vector<4096x128xf32>
    %select_n3A_62 = arith.select %eq3A_59, %select_n3A_48, %broadcast_in_dim3A_61 : vector<4096x128xi1>, vector<4096x128xf32>
    %get3A_63 = arith.constant 0 : index
    %get3A_64 = arith.constant 0 : index
    %get3A_65 = vector.load %arg7[%get3A_63, %get3A_64] : memref<128x128xf32, #tpu.memory_space<vmem>>, vector<128x128xf32>
    %dot_general3A = arith.constant dense<0.000000e+00> : vector<4096x128xf32>
    %dot_general3A_66 = tpu.matmul %select_n3A_27, %get3A_65, %dot_general3A {dimension_numbers = #tpu.dot_dimension_numbers<[1], [0], [0], [1], [0, 0, 1, 1], [], []>, transpose_lhs_hint = false} : vector<4096x128xf32>, vector<128x128xf32>, vector<4096x128xf32> -> vector<4096x128xf32>
    %get3A_67 = arith.constant 0 : index
    %get3A_68 = arith.constant 0 : index
    %get3A_69 = vector.load %arg8[%get3A_67, %get3A_68] : memref<128x128xf32, #tpu.memory_space<vmem>>, vector<128x128xf32>
    %dot_general3A_70 = arith.constant dense<0.000000e+00> : vector<4096x128xf32>
    %dot_general3A_71 = tpu.matmul %select_n3A_62, %get3A_69, %dot_general3A_70 {dimension_numbers = #tpu.dot_dimension_numbers<[1], [0], [0], [1], [0, 0, 1, 1], [], []>, transpose_lhs_hint = false} : vector<4096x128xf32>, vector<128x128xf32>, vector<4096x128xf32> -> vector<4096x128xf32>
    %add3A = arith.addf %dot_general3A_66, %dot_general3A_71 : vector<4096x128xf32>
    %get3A_72 = arith.constant 0 : index
    %get3A_73 = arith.constant 0 : index
    %get3A_74 = vector.load %arg9[%get3A_72, %get3A_73] : memref<1x128xf32, #tpu.memory_space<vmem>>, vector<1x128xf32>
    %add3A_75 = vector.broadcast %get3A_74 : vector<1x128xf32> to vector<4096x128xf32>
    %add3A_76 = arith.addf %add3A, %add3A_75 : vector<4096x128xf32>
    %max3A = arith.constant 0.000000e+00 : f32
    %max3A_77 = vector.broadcast %max3A : f32 to vector<4096x128xf32>
    %max3A_78 = arith.maximumf %add3A_76, %max3A_77 : vector<4096x128xf32>
    %get3A_79 = arith.constant 0 : index
    %get3A_80 = arith.constant 0 : index
    %get3A_81 = vector.load %arg10[%get3A_79, %get3A_80] : memref<128x1xf32, #tpu.memory_space<vmem>>, vector<128x1xf32>
    %dot_general3A_82 = arith.constant dense<0.000000e+00> : vector<4096x1xf32>
    %dot_general3A_83 = tpu.matmul %max3A_78, %get3A_81, %dot_general3A_82 {dimension_numbers = #tpu.dot_dimension_numbers<[1], [0], [0], [1], [0, 0, 1, 1], [], []>, transpose_lhs_hint = false} : vector<4096x128xf32>, vector<128x1xf32>, vector<4096x1xf32> -> vector<4096x1xf32>
    %get3A_84 = arith.constant 0 : index
    %get3A_85 = arith.constant 0 : index
    %get3A_86 = vector.load %arg11[%get3A_84, %get3A_85] : memref<1x1xf32, #tpu.memory_space<vmem>>, vector<1x1xf32>
    %get3A_87 = vector.extract %get3A_86[0, 0] : f32 from vector<1x1xf32>
    %add3A_88 = vector.broadcast %get3A_87 : f32 to vector<4096x1xf32>
    %add3A_89 = arith.addf %dot_general3A_83, %add3A_88 : vector<4096x1xf32>
    %swap3A = arith.constant 0 : index
    %swap3A_90 = arith.constant 0 : index
    %swap3A_91 = vector.load %arg12[%swap3A, %swap3A_90] : memref<4096x1xf32, #tpu.memory_space<vmem>>, vector<4096x1xf32>
    tpu.vector_store %arg12[%swap3A, %swap3A_90], %add3A_89 {strides = array<i32>} : memref<4096x1xf32, #tpu.memory_space<vmem>>, vector<4096x1xf32>,
    return
  }
  func.func @transform_0(%arg0: i32) -> (i32, i32) {
    %c0_i32 = arith.constant 0 : i32
    %c0_i32_0 = arith.constant 0 : i32
    return %arg0, %c0_i32 : i32, i32
  }
  func.func @transform_1(%arg0: i32) -> (i32, i32) {
    %c0_i32 = arith.constant 0 : i32
    %c0_i32_0 = arith.constant 0 : i32
    return %arg0, %c0_i32 : i32, i32
  }
  func.func @transform_2(%arg0: i32) -> (i32, i32) {
    %c0_i32 = arith.constant 0 : i32
    %c0_i32_0 = arith.constant 0 : i32
    return %arg0, %c0_i32 : i32, i32
  }
  func.func @transform_3(%arg0: i32) -> (i32, i32) {
    %c0_i32 = arith.constant 0 : i32
    %c0_i32_0 = arith.constant 0 : i32
    return %arg0, %c0_i32 : i32, i32
  }
  func.func @transform_4(%arg0: i32) -> (i32, i32) {
    %c0_i32 = arith.constant 0 : i32
    %c0_i32_0 = arith.constant 0 : i32
    return %arg0, %c0_i32 : i32, i32
  }
  func.func @transform_5(%arg0: i32) -> (i32, i32) {
    %c0_i32 = arith.constant 0 : i32
    %c0_i32_0 = arith.constant 0 : i32
    return %arg0, %c0_i32 : i32, i32
  }
  func.func @transform_6(%arg0: i32) -> (i32, i32) {
    %c0_i32 = arith.constant 0 : i32
    %c0_i32_0 = arith.constant 0 : i32
    %c0_i32_1 = arith.constant 0 : i32
    return %c0_i32, %c0_i32_0 : i32, i32
  }
  func.func @transform_7(%arg0: i32) -> (i32, i32) {
    %c0_i32 = arith.constant 0 : i32
    %c0_i32_0 = arith.constant 0 : i32
    %c0_i32_1 = arith.constant 0 : i32
    return %c0_i32, %c0_i32_0 : i32, i32
  }
  func.func @transform_8(%arg0: i32) -> (i32, i32) {
    %c0_i32 = arith.constant 0 : i32
    %c0_i32_0 = arith.constant 0 : i32
    %c0_i32_1 = arith.constant 0 : i32
    return %c0_i32, %c0_i32_0 : i32, i32
  }
  func.func @transform_9(%arg0: i32) -> (i32, i32) {
    %c0_i32 = arith.constant 0 : i32
    %c0_i32_0 = arith.constant 0 : i32
    %c0_i32_1 = arith.constant 0 : i32
    return %c0_i32, %c0_i32_0 : i32, i32
  }
  func.func @transform_10(%arg0: i32) -> (i32, i32) {
    %c0_i32 = arith.constant 0 : i32
    %c0_i32_0 = arith.constant 0 : i32
    %c0_i32_1 = arith.constant 0 : i32
    return %c0_i32, %c0_i32_0 : i32, i32
  }
  func.func @transform_11(%arg0: i32) -> (i32, i32) {
    %c0_i32 = arith.constant 0 : i32
    %c0_i32_0 = arith.constant 0 : i32
    return %arg0, %c0_i32 : i32, i32
  }
}

</mosaic_0001>

<sc_bundles>
// kernel: kernel.10.cloned.1.call-start
scs
__scs_entry_jumppad:
0x0: {  	(pc) =	sbr.rel $0x88, $3  }
0x1: {  	(tag) =	ssettag $0x0;
	lr =	simm.s32 $0x1  }
0x2: {  	[smem:$0x3F99] =	sst lr;
	_ =	strace $0xD0000000  }
0x3: {  	_ = 	snop  }
0x4: {  	_ = 	snop  }
0x5: {  	_ = 	snop  }
0x6: {  	_ = 	snop  }
0x7: {  	_ = 	snop  }
__scs_overlays_trampoline_lowered:
0x8: {  	[smem:$0x3FA8] =	sst s0  }
0x9: {  	[smem:$0x3FA9] =	sst s1  }
0xa: {  	[smem:$0x3FAA] =	sst s2  }
0xb: {  	[smem:$0x3FAB] =	sst s3  }
0xc: {  	[smem:$0x3FAC] =	sst s4  }
0xd: {  	[smem:$0x3FAD] =	sst s5  }
0xe: {  	[smem:$0x3FAE] =	sst s6  }
0xf: {  	[smem:$0x3FAF] =	sst s7  }
0x10: {  	[smem:$0x3FB0] =	sst s8  }
0x11: {  	[smem:$0x3FB1] =	sst s9;
	s0 =	simm.s32 @!p0 $0x0  }
0x12: {  	s1 =	sld [smem:$0x3F97];
	s0 =	simm.s32 @p0 $0x1  }
0x13: {  	[smem:$0x3FB2] =	sst s0;
	s0 =	simm.s32 @!p1 $0x0  }
0x14: {  	s2 =	sld [smem:$0x3F96];
	s0 =	simm.s32 @p1 $0x1  }
0x15: {  	[smem:$0x3FB3] =	sst s0;
	s0 =	simm.s32 @!p2 $0x0  }
0x16: {  	s3 =	sld [smem:$0x3FDB];
	s0 =	simm.s32 @p2 $0x1  }
0x17: {  	s4 =	simm.s32 $0x1BF5;
	[smem:$0x3FB5] =	sst s0  }
0x18: {  	s0 =	sld [smem:$0x3F98];
	_ =	swait.ge [sflag:s4], $0x0  }
0x19: {  	s7 =	sld [smem:$0x3F99]  }
0x1a: {  	s8 =	sadd.s32 $0xFFFFE003, lr  }
0x1b: {  	s9 =	sadd.s32 $0xFFFFFEF7, lr;
	s5 =	simm.s32 $0xFFFFFFFF;
	p2 =	slt.u32 s8, $0xFFFFF086  }
0x1c: {  	p1 =	slt.u32 s9, $0xF7A;
	s5 =	simm.s32 @!p2 $0x0  }
0x1d: {  	s5 =	simm.s32 @p1 $0x1;
	p0 =	seq.s32 s7, s2  }
0x1e: {  	s7 =	smul.u32 @!p0 $0xF7A, s2;
	p2 =	seq.s32 @!p0 s5, $0x0  }
0x1f: {  	s9 =	smul.u32 $0xF7A, s1;
	s8 =	simm.s32 @!p0 $0x1BF5;
	p2 =	por !p2, p0  }
0x20: {  	[sflag:s8] =	ssyncset.s32 @!p0 $0xFFFFF086;
	s6 =	sadd.s32 @!p0 s3, s7;
	s7 =	simm.s32 @!p0 $0x108  }
0x21: {  	s3 =	sadd.s32 s3, s9;
	s6 =	sadd.s32 @!p0 $0x88, s6;
	s7 =	simm.s32 @p2 $0x1082  }
0x22: {  	[simem:s7], [sflag:s8] =	dma.local @!p0 [hbm:s6], $0xF7A  }
0x23: {  	s9 =	sor.u32 $0xD0000000, s2;
	s6 =	simm.s32 $0x108;
	_ =	swait.ge @!p0 [sflag:s8], $0x0  }
0x24: {  	s3 =	sadd.s32 $0x88, s3;
	s6 =	simm.s32 @!p1 $0x1082;
	[sflag:s4] =	ssyncset.s32 $0xFFFFF086  }
0x25: {  	[simem:s6], [sflag:s4] =	dma.local [hbm:s3], $0xF7A  }
0x26: {  	[smem:$0x3F99] =	sst s1;
	(tag) =	ssettag s2;
	_ =	strace s9  }
0x27: {  	s1 =	sld [smem:$0x3FA9]  }
0x28: {  	s2 =	sld [smem:$0x3FAA]  }
0x29: {  	s4 =	sld [smem:$0x3FAC]  }
0x2a: {  	p0 =	seq.s32 s5, $0x0;
	s5 =	sld [smem:$0x3FAD]  }
0x2b: {  	s6 =	sld [smem:$0x3FAE]  }
0x2c: {  	s7 =	sld [smem:$0x3FAF]  }
0x2d: {  	s3 =	simm.s32 $0x108;
	s8 =	sld [smem:$0x3FB0]  }
0x2e: {  	s3 =	simm.s32 @!p0 $0x1082;
	s9 =	sld [smem:$0x3FB1]  }
0x2f: {  	lr =	sadd.s32 s0, s3;
	s0 =	sld [smem:$0x3FA8]  }
0x30: {  	s3 =	sld [smem:$0x3FAB]  }
0x31: {  	[smem:$0x3FB4] =	sst s10  }
0x32: {  	s10 =	sld [smem:$0x3FB2];
	_ =	sdelay $0x3  }
0x33: {  	p0 =	seq.s32 s10, $0x1;
	s10 =	sld [smem:$0x3FB4];
	_ =	sdelay $0x3  }
0x34: {  	[smem:$0x3FB4] =	sst s10  }
0x35: {  	s10 =	sld [smem:$0x3FB3];
	_ =	sdelay $0x3  }
0x36: {  	p1 =	seq.s32 s10, $0x1;
	s10 =	sld [smem:$0x3FB4];
	_ =	sdelay $0x3  }
0x37: {  	[smem:$0x3FB4] =	sst s10  }
0x38: {  	s10 =	sld [smem:$0x3FB5]  }
0x39: {  	_ = 	snop;
	(pc) =	sbr.ind lr, $3  }
0x3a: {  	_ = 	snop  }
0x3b: {  	_ = 	snop  }
0x3c: {  	p2 =	seq.s32 s10, $0x1;
	s10 =	sld [smem:$0x3FB4]  }
0x3d: {  	_ =	shalt  }
0x3e: {  	_ =	shalt  }
0x3f: {  	_ =	shalt  }
0x40: {  	_ =	shalt  }
0x41: {  	_ =	shalt  }
0x42: {  	_ =	shalt  }
0x43: {  	_ =	shalt  }
0x44: {  	_ =	shalt  }
0x45: {  	_ =	shalt  }
0x46: {  	_ =	shalt  }
0x47: {  	_ =	shalt  }
0x48: {  	_ =	shalt  }
0x49: {  	_ =	shalt  }
0x4a: {  	_ =	shalt  }
0x4b: {  	_ =	shalt  }
0x4c: {  	_ =	shalt  }
0x4d: {  	_ =	shalt  }
0x4e: {  	_ =	shalt  }
0x4f: {  	_ =	shalt  }
0x50: {  	_ =	shalt  }
0x51: {  	_ =	shalt  }
0x52: {  	_ =	shalt  }
0x53: {  	_ =	shalt  }
0x54: {  	_ =	shalt  }
0x55: {  	_ =	shalt  }
0x56: {  	_ =	shalt  }
0x57: {  	_ =	shalt  }
0x58: {  	_ =	shalt  }
0x59: {  	_ =	shalt  }
0x5a: {  	_ =	shalt  }
0x5b: {  	_ =	shalt  }
0x5c: {  	_ =	shalt  }
0x5d: {  	_ =	shalt  }
0x5e: {  	_ =	shalt  }
0x5f: {  	_ =	shalt  }
0x60: {  	_ =	shalt  }
0x61: {  	_ =	shalt  }
0x62: {  	_ =	shalt  }
0x63: {  	_ =	shalt  }
0x64: {  	_ =	shalt  }
0x65: {  	_ =	shalt  }
0x66: {  	_ =	shalt  }
0x67: {  	_ =	shalt  }
0x68: {  	_ =	shalt  }
0x69: {  	_ =	shalt  }
0x6a: {  	_ =	shalt  }
0x6b: {  	_ =	shalt  }
0x6c: {  	_ =	shalt  }
0x6d: {  	_ =	shalt  }
0x6e: {  	_ =	shalt  }
0x6f: {  	_ =	shalt  }
0x70: {  	_ =	shalt  }
0x71: {  	_ =	shalt  }
0x72: {  	_ =	shalt  }
0x73: {  	_ =	shalt  }
0x74: {  	_ =	shalt  }
0x75: {  	_ =	shalt  }
0x76: {  	_ =	shalt  }
0x77: {  	_ =	shalt  }
0x78: {  	_ =	shalt  }
0x79: {  	_ =	shalt  }
0x7a: {  	_ =	shalt  }
0x7b: {  	_ =	shalt  }
0x7c: {  	_ =	shalt  }
0x7d: {  	_ =	shalt  }
0x7e: {  	_ =	shalt  }
0x7f: {  	_ =	shalt  }
0x80: {  	_ =	shalt  }
0x81: {  	_ =	shalt  }
0x82: {  	_ =	shalt  }
0x83: {  	_ =	shalt  }
0x84: {  	_ =	shalt  }
0x85: {  	_ =	shalt  }
0x86: {  	_ =	shalt  }
0x87: {  	_ =	shalt  }
.Lfunc_end0:
.L_simem_size_0:
called_computation.1_lowered:
.L_overlay_start_0:
0x88: {  	s2 =	sld [smem:$0x3FD9]  }
0x89: {  	s3 =	sld [smem:$0x3FFE];
	_ =	sdelay $0x1  }
0x8a: {  	s1 =	srdreg.scid  }
0x8b: {  	s0 =	sand.u32 $0x1, s1  }
0x8c: {  	s16 =	sshll.u32 s0, $0xA;
	s2 =	sadd.s32 s3, s2  }
0x8d: {  	s2 =	sadd.s32 s2, s16  }
0x8e: {  	[smem:$0x3FC0] =	sst s2  }
0x8f: {  	_ = 	snop  }
0x90: {  	(tm) =	ssettm $0x1  }
0x91: {  	s17 =	sld [smem:$0x3FFB];
	_ =	sdelay $0x3  }
0x92: {  	_ =	strace s17  }
0x93: {  	s2 =	sld [smem:$0x3FFC];
	_ =	sdelay $0x3  }
0x94: {  	_ =	strace s2  }
0x95: {  	s2 =	sld [smem:$0x3FFD];
	_ =	sdelay $0x3  }
0x96: {  	_ =	strace s2  }
0x97: {  	_ =	strace $0x8FFFFFFF  }
0x98: {  	s18 =	sld [smem:$0x3FDB];
	_ =	sdelay $0x1  }
0x99: {  	s19 =	simm.s32 $_scs_section_size  }
0x9a: {  	s4 =	simm.s32 $_size__tile_overlayer_lowered;
	s5 =	simm.s32 $_tile_overlayer_lowered  }
0x9b: {  	s22 =	simm.s32 $0x1BFF;
	s21 =	sshll.u32 s5, $0x1;
	s2 =	sadd.s32 s19, s18  }
0x9c: {  	s6 =	simm.s32 $0x0;
	s20 =	sshll.u32 s4, $0x1;
	s4 =	sadd.s32 s21, s2  }
0x9d: {  	[timem:s6], [sflag:s22] =	dma.local [hbm:s4], s20  }
0x9e: {  	_ =	swait.ge [sflag:s22], s20  }
0x9f: {  	s3 =	ssub.s32 $0x0, s20;
	[sflag:s22] =	ssyncset.done $0x0  }
0xa0: {  	[sflag:s22] =	ssyncadd.s32 s3;
	_ =	sdelay $0x1  }
0xa1: {  	s23 =	simm.s32 $0x1B8B  }
0xa2: {  	_ =	swait.ge [sflag:s23], $0x1  }
0xa3: {  	[sflag:s23] =	ssyncset.done $0x0  }
0xa4: {  	s25 =	simm.s32 $0x1B8E;
	s24 =	sld [smem:$0x3FFE];
	[sflag:s23] =	ssyncadd.s32 $0xFFFFFFFF  }
0xa5: {  	s26 =	simm.s32 $execute0_lowered;
	[smem:$0x3FD2] =	sst s25  }
0xa6: {  	s4 =	sshll.u32 s26, $0x1;
	_ =	strace $0x80000046;
	[dreg:$0x1] =	wrdreg $0xFFFFFFFF  }
0xa7: {  	s28 =	simm.s32 $_size_execute0_lowered;
	s2 =	sadd.s32 s2, s4;
	[dreg:$0x0] =	wrdreg $0x0  }
0xa8: {  	s4 =	sshll.u32 s28, $0x1;
	[dreg:$0x2] =	wrdreg s2  }
0xa9: {  	[dreg:$0x3] =	wrdreg s4  }
0xaa: {  	[dreg:$0x4] =	wrdreg $0xC0  }
0xab: {  	_ =	task [dreg:s6], $0x5FFFF  }
0xac: {  	[dreg:$0x1] =	wrdreg $0xFFFFFFFF  }
0xad: {  	[dreg:$0x0] =	wrdreg $0x60  }
0xae: {  	[dreg:$0x2] =	wrdreg s24  }
0xaf: {  	[dreg:$0x3] =	wrdreg $0xA  }
0xb0: {  	_ =	task.clear_ibuf [dreg:s6], $0x4FFFF;
	_ =	strace $0x90000046  }
0xb1: {  	s29 =	simm.s32 $0xA;
	_ =	strace $0x80000048  }
0xb2: {  	_ =	swait.ge [sflag:s29], $0x1  }
0xb3: {  	[sflag:s29] =	ssyncadd.s32 $0xFFFFFFFF  }
0xb4: {  	_ =	strace $0x90000048  }
0xb5: {  	_ =	sfence  }
0xb6: {  	s30 =	sld [smem:$0x0];
	_ =	sdelay $0x2  }
0xb7: {  	s31 =	sshll.u32 s1, $0xD;
	s1 =	sshrl.u32 s1, $0x2  }
0xb8: {  	s3 =	sand.u32 $0x4000, s31;
	s1 =	sadd.s32 s1, s30  }
0xb9: {  	s0 =	sor.u32 s3, s0;
	s1 =	sshll.u32 s1, $0x11  }
0xba: {  	s0 =	sor.u32 s1, s0  }
0xbb: {  	s0 =	sadd.s32 $0x8F2B, s0  }
0xbc: {  	[sflag:s0] =	ssyncadd.remote.s32 $0x1  }
0xbd: {  	_ =	sfence.sel $0xFFFF  }
0xbe: {  	[dreg:$0x0] =	wrdreg $0xFFFFFFFF;
	(pc) =	sbr.abs _section_cstart, $3  }
0xbf: {  	[dreg:$0x1] =	wrdreg $0xFFFFFFFF  }
0xc0: {  	_ =	task.clear_ibuf [dreg:s6], $0x2FFFF;
	_ =	strace $0x9FFFFFFF  }
0xc1: {  	(tm) =	ssettm $0x7FFFFFFF  }
tec
execute0_lowered:
.L_overlay_start_1:
0x0: {  	(tag) =	ssettag $0x1  }
0x1: {  	s1 =	srdreg.scid  }
0x2: {  	s0 =	stileid.u32;
	s6 =	sand.u32 $0x1, s1  }
0x3: {  	s8 =	rddreg [dreg:$0x0];
	s30 =	sshll.u32 s0, $0xA;
	s2 =	sshll.u32 s6, $0x9  }
0x4: {  	s7 =	simm.s32 $0x1;
	s1 =	rddreg [dreg:$0x1];
	s9 =	sor.u32 s2, s30  }
0x5: {  	s5 =	sadd.s32 $0x3200, s8;
	s2 =	simm.s32 $0x0;
	s3 =	sshrl.u32 s9, $0x3  }
0x6: {  	s10 =	ssub.s32 $0x2, s6;
	[smem:$0x7FF] =	sst s2;
	s3 =	sadd.s32 s3, s8  }
0x7: {  	_ =	strace $0x80000047;
	s4 =	sadd.s32 $0x2A00, s3;
	s3 =	simm.s32 $0x2  }
0x8: {  	[tilespmem:s2], [sflag:$0x2] =	stream.linear.gather [hbm4b:s4+s2], $0x200, $0x38;
	[tilespmem:$0x10200] =	vst v63  }
0x9: {  	s6 =	simm.s32 $0x200;
	s11 =	sshrl.u32 s10, $0x1;
	_ =	swait.ge [sflag:s3], $0x200  }
0xa: {  	s9 =	sshll.u32 s9, $0x4;
	s31 =	ssub.s32 s10, s11;
	[sflag:s3] =	ssyncset.done $0x0  }
0xb: {  	s8 =	sadd.s32 s9, s8;
	s9 =	smax.u32 s31, $0x1;
	[sflag:s3] =	ssyncadd.s32 $0xFFFFFE00  }
0xc: {  	[tilespmem:s6], [sflag:$0x1] =	stream.indirect.gather [hbm4b:s5+s6], $0x80, s2, s6, $0xb8;
	[tilespmem:$0x10200] =	vst v63  }
0xd: {  	p0 =	sne.s32 s9, $0x1;
	_ =	swait.ge [sflag:s7], $0x10000  }
.Ltmp0:
0xe: {  	[sflag:s7] =	ssyncset.done $0x0;
	(pc) =	sbr.rel @!p0 .LBB2_2-.Ltmp0, $4  }
0xf: {  	s8 =	sadd.s32 $0x3DB200, s8;
	[sflag:s7] =	ssyncadd.s32 $0xFFFF0000  }
0x10: {  	[hbm4b:s8+s2] =	stream.linear.scatter [tilespmem:s6], [sflag:$0x2], $0x10000, $0x38;
	[tilespmem:$0x10200] =	vst v63  }
0x11: {  	_ =	swait.ge [sflag:s3], $0x10000  }
0x12: {  	s9 =	sadd.s32 $0xFFFFFFFF, s9;
	[sflag:s3] =	ssyncset.done $0x0  }
.LBB2_1:
0x13: {  	p0 =	sne.s32 s9, $0x1;
	s9 =	sadd.s32 $0xFFFFFFFF, s9;
	[sflag:s3] =	ssyncadd.s32 $0xFFFF0000  }
0x14: {  	[tilespmem:s2], [sflag:$0x2] =	stream.linear.gather [hbm4b:s4+s2], $0x200, $0x38;
	[tilespmem:$0x10200] =	vst v63  }
0x15: {  	_ =	swait.ge [sflag:s3], $0x200  }
0x16: {  	[sflag:s3] =	ssyncset.done $0x0  }
0x17: {  	[sflag:s3] =	ssyncadd.s32 $0xFFFFFE00  }
0x18: {  	[tilespmem:s6], [sflag:$0x1] =	stream.indirect.gather [hbm4b:s5+s6], $0x80, s2, s6, $0xb8;
	[tilespmem:$0x10200] =	vst v63  }
0x19: {  	_ =	swait.ge [sflag:s7], $0x10000  }
.Ltmp1:
0x1a: {  	[sflag:s7] =	ssyncset.done $0x0;
	(pc) =	sbr.rel @p0 .LBB2_1-.Ltmp1, $4  }
0x1b: {  	[sflag:s7] =	ssyncadd.s32 $0xFFFF0000  }
0x1c: {  	[hbm4b:s8+s2] =	stream.linear.scatter [tilespmem:s6], [sflag:$0x2], $0x10000, $0x38;
	[tilespmem:$0x10200] =	vst v63  }
0x1d: {  	_ =	swait.ge [sflag:s3], $0x10000  }
0x1e: {  	[sflag:s3] =	ssyncset.done $0x0  }
.LBB2_2:
0x1f: {  	[sflag:s3] =	ssyncadd.s32 $0xFFFF0000  }
0x20: {  	_ =	sfence.sel $0x180000  }
0x21: {  	[bflag:$0x0] =	sbarrier.arrive $0xFFFF  }
0x22: {  	p0 =	sne.s32 s0, $0x0;
	_ =	strace $0x90000047  }
0x23: {  	s0 =	sadd.s32 @!p0 $0x100000, s1;
	[bflag:$0x2] =	sbarrier.arrive $0xFFFF  }
0x24: {  	[sflag:s0] =	ssyncadd.tile.s32 @!p0 $0x1;
	_ =	shalt  }
.Lfunc_end2:
_tile_overlayer_lowered:
.L_overlay_start_2:
0x25: {  	(tag) =	ssettag $0x2  }
0x26: {  	s0 =	rddreg [dreg:$0x0];
	s2 =	stileid.u32  }
0x27: {  	s1 =	rddreg [dreg:$0x1];
	p0 =	sne.s32 s2, $0x0  }
0x28: {  	s3 =	rddreg [dreg:$0x2];
	[bflag:$0x3] =	sbarrier.arrive $0xFFFF;
	s2 =	simm.s32 @!p0 $0x1C02  }
0x29: {  	[timem:s3], [sflag:s2] =	dma.local @!p0 [hbm:s0], s1  }
0x2a: {  	s0 =	simm.s32 @!p0 $0x2  }
0x2b: {  	_ =	swait.ge @!p0 [sflag:s0], s1  }
0x2c: {  	s1 =	ssub.s32 @!p0 $0x0, s1;
	[sflag:s0] =	ssyncset.done @!p0 $0x0  }
0x2d: {  	[sflag:s0] =	ssyncadd.s32 @!p0 s1  }
0x2e: {  	[bflag:$0x3] =	sbarrier.arrive $0xFFFF  }
0x2f: {  	_ =	shalt  }

// kernel: kernel.7.cloned.1.call-start
scs
__scs_entry_jumppad:
0x0: {  	(pc) =	sbr.rel $0x88, $3  }
0x1: {  	(tag) =	ssettag $0x0;
	lr =	simm.s32 $0x1  }
0x2: {  	[smem:$0x3F99] =	sst lr;
	_ =	strace $0xD0000000  }
0x3: {  	_ = 	snop  }
0x4: {  	_ = 	snop  }
0x5: {  	_ = 	snop  }
0x6: {  	_ = 	snop  }
0x7: {  	_ = 	snop  }
__scs_overlays_trampoline_lowered:
0x8: {  	[smem:$0x3FA8] =	sst s0  }
0x9: {  	[smem:$0x3FA9] =	sst s1  }
0xa: {  	[smem:$0x3FAA] =	sst s2  }
0xb: {  	[smem:$0x3FAB] =	sst s3  }
0xc: {  	[smem:$0x3FAC] =	sst s4  }
0xd: {  	[smem:$0x3FAD] =	sst s5  }
0xe: {  	[smem:$0x3FAE] =	sst s6  }
0xf: {  	[smem:$0x3FAF] =	sst s7  }
0x10: {  	[smem:$0x3FB0] =	sst s8  }
0x11: {  	[smem:$0x3FB1] =	sst s9;
	s0 =	simm.s32 @!p0 $0x0  }
0x12: {  	s1 =	sld [smem:$0x3F97];
	s0 =	simm.s32 @p0 $0x1  }
0x13: {  	[smem:$0x3FB2] =	sst s0;
	s0 =	simm.s32 @!p1 $0x0  }
0x14: {  	s2 =	sld [smem:$0x3F96];
	s0 =	simm.s32 @p1 $0x1  }
0x15: {  	[smem:$0x3FB3] =	sst s0;
	s0 =	simm.s32 @!p2 $0x0  }
0x16: {  	s3 =	sld [smem:$0x3FDB];
	s0 =	simm.s32 @p2 $0x1  }
0x17: {  	s4 =	simm.s32 $0x1BF5;
	[smem:$0x3FB5] =	sst s0  }
0x18: {  	s0 =	sld [smem:$0x3F98];
	_ =	swait.ge [sflag:s4], $0x0  }
0x19: {  	s7 =	sld [smem:$0x3F99]  }
0x1a: {  	s8 =	sadd.s32 $0xFFFFE003, lr  }
0x1b: {  	s9 =	sadd.s32 $0xFFFFFEF7, lr;
	s5 =	simm.s32 $0xFFFFFFFF;
	p2 =	slt.u32 s8, $0xFFFFF086  }
0x1c: {  	p1 =	slt.u32 s9, $0xF7A;
	s5 =	simm.s32 @!p2 $0x0  }
0x1d: {  	s5 =	simm.s32 @p1 $0x1;
	p0 =	seq.s32 s7, s2  }
0x1e: {  	s7 =	smul.u32 @!p0 $0xF7A, s2;
	p2 =	seq.s32 @!p0 s5, $0x0  }
0x1f: {  	s9 =	smul.u32 $0xF7A, s1;
	s8 =	simm.s32 @!p0 $0x1BF5;
	p2 =	por !p2, p0  }
0x20: {  	[sflag:s8] =	ssyncset.s32 @!p0 $0xFFFFF086;
	s6 =	sadd.s32 @!p0 s3, s7;
	s7 =	simm.s32 @!p0 $0x108  }
0x21: {  	s3 =	sadd.s32 s3, s9;
	s6 =	sadd.s32 @!p0 $0x88, s6;
	s7 =	simm.s32 @p2 $0x1082  }
0x22: {  	[simem:s7], [sflag:s8] =	dma.local @!p0 [hbm:s6], $0xF7A  }
0x23: {  	s9 =	sor.u32 $0xD0000000, s2;
	s6 =	simm.s32 $0x108;
	_ =	swait.ge @!p0 [sflag:s8], $0x0  }
0x24: {  	s3 =	sadd.s32 $0x88, s3;
	s6 =	simm.s32 @!p1 $0x1082;
	[sflag:s4] =	ssyncset.s32 $0xFFFFF086  }
0x25: {  	[simem:s6], [sflag:s4] =	dma.local [hbm:s3], $0xF7A  }
0x26: {  	[smem:$0x3F99] =	sst s1;
	(tag) =	ssettag s2;
	_ =	strace s9  }
0x27: {  	s1 =	sld [smem:$0x3FA9]  }
0x28: {  	s2 =	sld [smem:$0x3FAA]  }
0x29: {  	s4 =	sld [smem:$0x3FAC]  }
0x2a: {  	p0 =	seq.s32 s5, $0x0;
	s5 =	sld [smem:$0x3FAD]  }
0x2b: {  	s6 =	sld [smem:$0x3FAE]  }
0x2c: {  	s7 =	sld [smem:$0x3FAF]  }
0x2d: {  	s3 =	simm.s32 $0x108;
	s8 =	sld [smem:$0x3FB0]  }
0x2e: {  	s3 =	simm.s32 @!p0 $0x1082;
	s9 =	sld [smem:$0x3FB1]  }
0x2f: {  	lr =	sadd.s32 s0, s3;
	s0 =	sld [smem:$0x3FA8]  }
0x30: {  	s3 =	sld [smem:$0x3FAB]  }
0x31: {  	[smem:$0x3FB4] =	sst s10  }
0x32: {  	s10 =	sld [smem:$0x3FB2];
	_ =	sdelay $0x3  }
0x33: {  	p0 =	seq.s32 s10, $0x1;
	s10 =	sld [smem:$0x3FB4];
	_ =	sdelay $0x3  }
0x34: {  	[smem:$0x3FB4] =	sst s10  }
0x35: {  	s10 =	sld [smem:$0x3FB3];
	_ =	sdelay $0x3  }
0x36: {  	p1 =	seq.s32 s10, $0x1;
	s10 =	sld [smem:$0x3FB4];
	_ =	sdelay $0x3  }
0x37: {  	[smem:$0x3FB4] =	sst s10  }
0x38: {  	s10 =	sld [smem:$0x3FB5]  }
0x39: {  	_ = 	snop;
	(pc) =	sbr.ind lr, $3  }
0x3a: {  	_ = 	snop  }
0x3b: {  	_ = 	snop  }
0x3c: {  	p2 =	seq.s32 s10, $0x1;
	s10 =	sld [smem:$0x3FB4]  }
0x3d: {  	_ =	shalt  }
0x3e: {  	_ =	shalt  }
0x3f: {  	_ =	shalt  }
0x40: {  	_ =	shalt  }
0x41: {  	_ =	shalt  }
0x42: {  	_ =	shalt  }
0x43: {  	_ =	shalt  }
0x44: {  	_ =	shalt  }
0x45: {  	_ =	shalt  }
0x46: {  	_ =	shalt  }
0x47: {  	_ =	shalt  }
0x48: {  	_ =	shalt  }
0x49: {  	_ =	shalt  }
0x4a: {  	_ =	shalt  }
0x4b: {  	_ =	shalt  }
0x4c: {  	_ =	shalt  }
0x4d: {  	_ =	shalt  }
0x4e: {  	_ =	shalt  }
0x4f: {  	_ =	shalt  }
0x50: {  	_ =	shalt  }
0x51: {  	_ =	shalt  }
0x52: {  	_ =	shalt  }
0x53: {  	_ =	shalt  }
0x54: {  	_ =	shalt  }
0x55: {  	_ =	shalt  }
0x56: {  	_ =	shalt  }
0x57: {  	_ =	shalt  }
0x58: {  	_ =	shalt  }
0x59: {  	_ =	shalt  }
0x5a: {  	_ =	shalt  }
0x5b: {  	_ =	shalt  }
0x5c: {  	_ =	shalt  }
0x5d: {  	_ =	shalt  }
0x5e: {  	_ =	shalt  }
0x5f: {  	_ =	shalt  }
0x60: {  	_ =	shalt  }
0x61: {  	_ =	shalt  }
0x62: {  	_ =	shalt  }
0x63: {  	_ =	shalt  }
0x64: {  	_ =	shalt  }
0x65: {  	_ =	shalt  }
0x66: {  	_ =	shalt  }
0x67: {  	_ =	shalt  }
0x68: {  	_ =	shalt  }
0x69: {  	_ =	shalt  }
0x6a: {  	_ =	shalt  }
0x6b: {  	_ =	shalt  }
0x6c: {  	_ =	shalt  }
0x6d: {  	_ =	shalt  }
0x6e: {  	_ =	shalt  }
0x6f: {  	_ =	shalt  }
0x70: {  	_ =	shalt  }
0x71: {  	_ =	shalt  }
0x72: {  	_ =	shalt  }
0x73: {  	_ =	shalt  }
0x74: {  	_ =	shalt  }
0x75: {  	_ =	shalt  }
0x76: {  	_ =	shalt  }
0x77: {  	_ =	shalt  }
0x78: {  	_ =	shalt  }
0x79: {  	_ =	shalt  }
0x7a: {  	_ =	shalt  }
0x7b: {  	_ =	shalt  }
0x7c: {  	_ =	shalt  }
0x7d: {  	_ =	shalt  }
0x7e: {  	_ =	shalt  }
0x7f: {  	_ =	shalt  }
0x80: {  	_ =	shalt  }
0x81: {  	_ =	shalt  }
0x82: {  	_ =	shalt  }
0x83: {  	_ =	shalt  }
0x84: {  	_ =	shalt  }
0x85: {  	_ =	shalt  }
0x86: {  	_ =	shalt  }
0x87: {  	_ =	shalt  }
.Lfunc_end0:
.L_simem_size_0:
called_computation_lowered:
.L_overlay_start_0:
0x88: {  	s2 =	sld [smem:$0x3FD9]  }
0x89: {  	s3 =	sld [smem:$0x3FFE];
	_ =	sdelay $0x1  }
0x8a: {  	s1 =	srdreg.scid  }
0x8b: {  	s0 =	sand.u32 $0x1, s1  }
0x8c: {  	s17 =	sshll.u32 s0, $0xA;
	s2 =	sadd.s32 s3, s2  }
0x8d: {  	s2 =	sadd.s32 s2, s17  }
0x8e: {  	[smem:$0x3FC0] =	sst s2  }
0x8f: {  	_ = 	snop  }
0x90: {  	s18 =	sld [smem:$0x3FD0];
	(tm) =	ssettm $0x1  }
0x91: {  	s19 =	sld [smem:$0x3FFB];
	_ =	sdelay $0x3  }
0x92: {  	_ =	strace s19  }
0x93: {  	s2 =	sld [smem:$0x3FFC];
	_ =	sdelay $0x3  }
0x94: {  	_ =	strace s2  }
0x95: {  	s2 =	sld [smem:$0x3FFD];
	_ =	sdelay $0x3  }
0x96: {  	_ =	strace s2  }
0x97: {  	_ =	strace $0x8FFFFFFF  }
0x98: {  	s20 =	sld [smem:$0x3FDB];
	_ =	sdelay $0x1  }
0x99: {  	s4 =	simm.s32 $_scs_section_size  }
0x9a: {  	s5 =	simm.s32 $_size__tile_overlayer_lowered;
	s6 =	simm.s32 $_tile_overlayer_lowered  }
0x9b: {  	s7 =	simm.s32 $0x1BFF;
	s21 =	sshll.u32 s6, $0x1;
	s4 =	sadd.s32 s4, s20  }
0x9c: {  	s22 =	simm.s32 $0x0;
	s5 =	sshll.u32 s5, $0x1;
	s6 =	sadd.s32 s21, s4  }
0x9d: {  	[timem:s22], [sflag:s7] =	dma.local [hbm:s6], s5  }
0x9e: {  	_ =	swait.ge [sflag:s7], s5  }
0x9f: {  	s5 =	ssub.s32 $0x0, s5;
	[sflag:s7] =	ssyncset.done $0x0  }
0xa0: {  	[sflag:s7] =	ssyncadd.s32 s5;
	_ =	sdelay $0x1  }
0xa1: {  	s23 =	simm.s32 $0x1B8B  }
0xa2: {  	_ =	swait.ge [sflag:s23], $0x1  }
0xa3: {  	[sflag:s23] =	ssyncset.done $0x0  }
0xa4: {  	[sflag:s23] =	ssyncadd.s32 $0xFFFFFFFF  }
0xa5: {  	s5 =	sld [smem:$0x0]  }
0xa6: {  	s6 =	sand.u32 $0xFFFFFFFE, s1  }
0xa7: {  	p0 =	sne.s32 s1, s6  }
0xa8: {  	s6 =	sshll.u32 @p0 s6, $0xE  }
0xa9: {  	s6 =	sadd.s32 @p0 $0x11B8D, s6;
	s7 =	sshll.u32 @p0 s5, $0x11  }
0xaa: {  	s6 =	sor.u32 @p0 s7, s6  }
0xab: {  	[sflag:s6] =	ssyncadd.remote.s32 @p0 $0x1;
	_ =	sdelay $0x1  }
0xac: {  	s6 =	simm.s32 @p0 $0x1B8D  }
0xad: {  	_ =	swait.eq @p0 [sflag:s6], $0x1  }
0xae: {  	[sflag:s6] =	ssyncadd.s32 @p0 $0xFFFFFFFF  }
0xaf: {  	s7 =	sshll.u32 @!p0 s1, $0xE  }
0xb0: {  	s7 =	sor.u32 @!p0 $0x4000, s7;
	s6 =	simm.s32 @!p0 $0x1B8D  }
0xb1: {  	s5 =	sshll.u32 @!p0 s5, $0x11;
	s7 =	sadd.s32 @!p0 $0x11B8D, s7;
	_ =	swait.eq @!p0 [sflag:s6], $0x1  }
0xb2: {  	s5 =	sor.u32 @!p0 s5, s7;
	[sflag:s6] =	ssyncadd.s32 @!p0 $0xFFFFFFFF  }
0xb3: {  	s25 =	simm.s32 $0x1B8E;
	s24 =	sld [smem:$0x3FFE];
	[sflag:s5] =	ssyncadd.remote.s32 @!p0 $0x1  }
0xb4: {  	s26 =	simm.s32 $execute0_lowered;
	[smem:$0x3FD2] =	sst s25  }
0xb5: {  	s6 =	sshll.u32 s26, $0x1;
	_ =	strace $0x80000049;
	[dreg:$0x1] =	wrdreg $0xFFFFFFFF  }
0xb6: {  	s28 =	simm.s32 $_size_execute0_lowered;
	s4 =	sadd.s32 s4, s6;
	[dreg:$0x0] =	wrdreg $0x0  }
0xb7: {  	s6 =	sshll.u32 s28, $0x1;
	[dreg:$0x2] =	wrdreg s4  }
0xb8: {  	[dreg:$0x3] =	wrdreg s6  }
0xb9: {  	[dreg:$0x4] =	wrdreg $0xC0  }
0xba: {  	_ =	task [dreg:s22], $0x5FFFF  }
0xbb: {  	[dreg:$0x1] =	wrdreg $0xFFFFFFFF  }
0xbc: {  	[dreg:$0x0] =	wrdreg $0x60  }
0xbd: {  	[dreg:$0x2] =	wrdreg s24  }
0xbe: {  	[dreg:$0x3] =	wrdreg s18  }
0xbf: {  	[dreg:$0x4] =	wrdreg $0x9  }
0xc0: {  	_ =	task.clear_ibuf [dreg:s22], $0x5FFFF;
	_ =	strace $0x90000049  }
0xc1: {  	s29 =	simm.s32 $0x9;
	_ =	strace $0x8000004B  }
0xc2: {  	_ =	swait.ge [sflag:s29], $0x1  }
0xc3: {  	[sflag:s29] =	ssyncadd.s32 $0xFFFFFFFF  }
0xc4: {  	_ =	strace $0x9000004B  }
0xc5: {  	_ =	sfence  }
0xc6: {  	s30 =	sld [smem:$0x0];
	_ =	sdelay $0x2  }
0xc7: {  	s31 =	sshll.u32 s1, $0xD;
	s1 =	sshrl.u32 s1, $0x2  }
0xc8: {  	s4 =	sand.u32 $0x4000, s31;
	s1 =	sadd.s32 s1, s30  }
0xc9: {  	s0 =	sor.u32 s4, s0;
	s1 =	sshll.u32 s1, $0x11  }
0xca: {  	s0 =	sor.u32 s1, s0  }
0xcb: {  	s0 =	sadd.s32 $0x8F2B, s0  }
0xcc: {  	[sflag:s0] =	ssyncadd.remote.s32 $0x1  }
0xcd: {  	_ =	sfence.sel $0xFFFF  }
0xce: {  	[dreg:$0x0] =	wrdreg $0xFFFFFFFF;
	(pc) =	sbr.abs _section_cstart, $3  }
0xcf: {  	[dreg:$0x1] =	wrdreg $0xFFFFFFFF  }
0xd0: {  	_ =	task.clear_ibuf [dreg:s22], $0x2FFFF;
	_ =	strace $0x9FFFFFFF  }
0xd1: {  	(tm) =	ssettm $0x7FFFFFFF  }
tec
execute0_lowered:
.L_overlay_start_1:
0x0: {  	(tag) =	ssettag $0x1  }
0x1: {  	s1 =	srdreg.scid  }
0x2: {  	s8 =	rddreg [dreg:$0x0];
	s0 =	stileid.u32  }
0x3: {  	s3 =	rddreg [dreg:$0x1];
	s2 =	simm.s32 $0x0;
	s6 =	sand.u32 $0x1, s1  }
0x4: {  	s4 =	sshll.u32 s0, $0xA;
	s1 =	rddreg [dreg:$0x2];
	s5 =	sshll.u32 s6, $0x9  }
0x5: {  	s7 =	simm.s32 $0x1;
	[smem:$0x7FF] =	sst s2;
	s9 =	sor.u32 s5, s4  }
0x6: {  	_ =	strace $0x8000004A;
	s10 =	ssub.s32 $0x2, s6;
	s4 =	sshrl.u32 s9, $0x3  }
0x7: {  	s6 =	simm.s32 $0x200;
	s4 =	sadd.s32 s3, s4;
	s3 =	simm.s32 $0x2  }
0x8: {  	[tilespmem:s2], [sflag:$0x2] =	stream.linear.gather [hbm4b:s4+s2], $0x200, $0x38;
	[tilespmem:$0x10200] =	vst v63  }
0x9: {  	s5 =	sadd.s32 $0x41B200, s8;
	s11 =	sshrl.u32 s10, $0x1;
	_ =	swait.ge [sflag:s3], $0x200  }
0xa: {  	s9 =	sshll.u32 s9, $0x4;
	s31 =	ssub.s32 s10, s11;
	[sflag:s3] =	ssyncset.done $0x0  }
0xb: {  	s8 =	sadd.s32 s9, s8;
	s9 =	smax.u32 s31, $0x1;
	[sflag:s3] =	ssyncadd.s32 $0xFFFFFE00  }
0xc: {  	[tilespmem:s6], [sflag:$0x1] =	stream.indirect.gather [hbm4b:s5+s6], $0x80, s2, s6, $0xb8;
	[tilespmem:$0x10200] =	vst v63  }
0xd: {  	p0 =	sne.s32 s9, $0x1;
	_ =	swait.ge [sflag:s7], $0x10000  }
.Ltmp0:
0xe: {  	[sflag:s7] =	ssyncset.done $0x0;
	(pc) =	sbr.rel @!p0 .LBB2_2-.Ltmp0, $4  }
0xf: {  	s8 =	sadd.s32 $0x7F3200, s8;
	[sflag:s7] =	ssyncadd.s32 $0xFFFF0000  }
0x10: {  	[hbm4b:s8+s2] =	stream.linear.scatter [tilespmem:s6], [sflag:$0x2], $0x10000, $0x38;
	[tilespmem:$0x10200] =	vst v63  }
0x11: {  	_ =	swait.ge [sflag:s3], $0x10000  }
0x12: {  	s9 =	sadd.s32 $0xFFFFFFFF, s9;
	[sflag:s3] =	ssyncset.done $0x0  }
.LBB2_1:
0x13: {  	p0 =	sne.s32 s9, $0x1;
	s9 =	sadd.s32 $0xFFFFFFFF, s9;
	[sflag:s3] =	ssyncadd.s32 $0xFFFF0000  }
0x14: {  	[tilespmem:s2], [sflag:$0x2] =	stream.linear.gather [hbm4b:s4+s2], $0x200, $0x38;
	[tilespmem:$0x10200] =	vst v63  }
0x15: {  	_ =	swait.ge [sflag:s3], $0x200  }
0x16: {  	[sflag:s3] =	ssyncset.done $0x0  }
0x17: {  	[sflag:s3] =	ssyncadd.s32 $0xFFFFFE00  }
0x18: {  	[tilespmem:s6], [sflag:$0x1] =	stream.indirect.gather [hbm4b:s5+s6], $0x80, s2, s6, $0xb8;
	[tilespmem:$0x10200] =	vst v63  }
0x19: {  	_ =	swait.ge [sflag:s7], $0x10000  }
.Ltmp1:
0x1a: {  	[sflag:s7] =	ssyncset.done $0x0;
	(pc) =	sbr.rel @p0 .LBB2_1-.Ltmp1, $4  }
0x1b: {  	[sflag:s7] =	ssyncadd.s32 $0xFFFF0000  }
0x1c: {  	[hbm4b:s8+s2] =	stream.linear.scatter [tilespmem:s6], [sflag:$0x2], $0x10000, $0x38;
	[tilespmem:$0x10200] =	vst v63  }
0x1d: {  	_ =	swait.ge [sflag:s3], $0x10000  }
0x1e: {  	[sflag:s3] =	ssyncset.done $0x0  }
.LBB2_2:
0x1f: {  	[sflag:s3] =	ssyncadd.s32 $0xFFFF0000  }
0x20: {  	_ =	sfence.sel $0x180000  }
0x21: {  	[bflag:$0x0] =	sbarrier.arrive $0xFFFF  }
0x22: {  	p0 =	sne.s32 s0, $0x0;
	_ =	strace $0x9000004A  }
0x23: {  	s0 =	sadd.s32 @!p0 $0x100000, s1;
	[bflag:$0x2] =	sbarrier.arrive $0xFFFF  }
0x24: {  	[sflag:s0] =	ssyncadd.tile.s32 @!p0 $0x1;
	_ =	shalt  }
.Lfunc_end2:
_tile_overlayer_lowered:
.L_overlay_start_2:
0x25: {  	(tag) =	ssettag $0x2  }
0x26: {  	s0 =	rddreg [dreg:$0x0];
	s2 =	stileid.u32  }
0x27: {  	s1 =	rddreg [dreg:$0x1];
	p0 =	sne.s32 s2, $0x0  }
0x28: {  	s3 =	rddreg [dreg:$0x2];
	[bflag:$0x3] =	sbarrier.arrive $0xFFFF;
	s2 =	simm.s32 @!p0 $0x1C02  }
0x29: {  	[timem:s3], [sflag:s2] =	dma.local @!p0 [hbm:s0], s1  }
0x2a: {  	s0 =	simm.s32 @!p0 $0x2  }
0x2b: {  	_ =	swait.ge @!p0 [sflag:s0], s1  }
0x2c: {  	s1 =	ssub.s32 @!p0 $0x0, s1;
	[sflag:s0] =	ssyncset.done @!p0 $0x0  }
0x2d: {  	[sflag:s0] =	ssyncadd.s32 @!p0 s1  }
0x2e: {  	[bflag:$0x3] =	sbarrier.arrive $0xFFFF  }
0x2f: {  	_ =	shalt  }

</sc_bundles>
